<compile_context>
chip_gen: v7x
topology: tpu7x:2x2x1
jax: 0.10.2.dev20260603
libtpu: 0.0.44.dev20260713+nightly
codegen_flags: <defaults>
</compile_context>

<pallas_src>
import functools

import jax
import jax.numpy as jnp
from jax import lax
from jax.experimental import pallas as pl
from jax.experimental.pallas import tpu as pltpu
from jax.experimental.pallas import tpu_sc as plsc

N_NODES = 10000
N_EDGES = 160000
H_SIZE = 256
HALF = 128

NPAD = 10240
ROWS_PER_SUB = NPAD // 16
LAST_ROWS = N_NODES - 15 * ROWS_PER_SUB
EDGES_PER_SUB = N_EDGES // 16
K = 250
NCHUNK = EDGES_PER_SUB // K


def _sc_body(h2_hbm, gidx_hbm, sidx_hbm, zeros_hbm, out_hbm,
             acc_sh, ga, sa, gb, sb, rows_v,
             sem, sga, ssa, sgb, ssb):
    c = lax.axis_index("c")
    s = lax.axis_index("s")
    row0 = s * ROWS_PER_SUB

    pltpu.sync_copy(zeros_hbm, acc_sh.at[pl.ds(row0, ROWS_PER_SUB)])
    pltpu.sync_copy(gidx_hbm.at[c, s, 0], ga)
    pltpu.sync_copy(sidx_hbm.at[s, 0], sa)
    pltpu.async_copy(gidx_hbm.at[c, s, 1], gb, sgb)
    pltpu.async_copy(sidx_hbm.at[s, 1], sb, ssb)
    plsc.subcore_barrier()

    def body(j, carry):
        i0 = 2 * j
        i1 = i0 + 1
        pltpu.async_copy(h2_hbm.at[ga], rows_v, sem).wait()
        pltpu.sync_copy(rows_v, acc_sh.at[sa], add=True)
        nxt0 = jnp.minimum(i0 + 2, NCHUNK - 2)
        pltpu.async_copy(gidx_hbm.at[c, s, nxt0], ga, sga)
        pltpu.async_copy(sidx_hbm.at[s, nxt0], sa, ssa)

        pltpu.make_async_copy(gidx_hbm.at[c, s, i1], gb, sgb).wait()
        pltpu.make_async_copy(sidx_hbm.at[s, i1], sb, ssb).wait()
        pltpu.async_copy(h2_hbm.at[gb], rows_v, sem).wait()
        pltpu.sync_copy(rows_v, acc_sh.at[sb], add=True)
        nxt1 = jnp.minimum(i1 + 2, NCHUNK - 1)
        pltpu.async_copy(gidx_hbm.at[c, s, nxt1], gb, sgb)
        pltpu.async_copy(sidx_hbm.at[s, nxt1], sb, ssb)

        pltpu.make_async_copy(gidx_hbm.at[c, s, nxt0], ga, sga).wait()
        pltpu.make_async_copy(sidx_hbm.at[s, nxt0], sa, ssa).wait()
        return carry

    lax.fori_loop(0, NCHUNK // 2, body, 0)
    pltpu.make_async_copy(gidx_hbm.at[c, s, NCHUNK - 1], gb, sgb).wait()
    pltpu.make_async_copy(sidx_hbm.at[s, NCHUNK - 1], sb, ssb).wait()
    plsc.subcore_barrier()

    out0 = c * N_NODES + row0

    @pl.when(s < 15)
    def _():
        pltpu.sync_copy(acc_sh.at[pl.ds(row0, ROWS_PER_SUB)],
                        out_hbm.at[pl.ds(out0, ROWS_PER_SUB)])

    @pl.when(s == 15)
    def _():
        pltpu.sync_copy(acc_sh.at[pl.ds(row0, LAST_ROWS)],
                        out_hbm.at[pl.ds(out0, LAST_ROWS)])


_sc_segment_sum = functools.partial(
    pl.kernel,
    out_type=jax.ShapeDtypeStruct((2 * N_NODES, HALF), jnp.float32),
    mesh=plsc.VectorSubcoreMesh(core_axis_name="c", subcore_axis_name="s"),
    scratch_types=[
        pltpu.VMEM_SHARED((NPAD, HALF), jnp.float32),
        pltpu.VMEM((K,), jnp.int32),
        pltpu.VMEM((K,), jnp.int32),
        pltpu.VMEM((K,), jnp.int32),
        pltpu.VMEM((K,), jnp.int32),
        pltpu.VMEM((K, HALF), jnp.float32),
        pltpu.SemaphoreType.DMA,
        pltpu.SemaphoreType.DMA,
        pltpu.SemaphoreType.DMA,
        pltpu.SemaphoreType.DMA,
        pltpu.SemaphoreType.DMA,
    ],
)(_sc_body)


ROW_BLK = 2000


def _tc_body(x_ref, ht0_ref, ht1_ref, w_ref, u_ref, b_ref, out_ref):
    ht = jnp.concatenate([ht0_ref[...], ht1_ref[...]], axis=1)
    ruo = (jnp.dot(x_ref[...], w_ref[...],
                   preferred_element_type=jnp.float32)
           + jnp.dot(ht, u_ref[...],
                     preferred_element_type=jnp.float32)
           + b_ref[...])
    u = jax.nn.sigmoid(ruo[:, :H_SIZE])
    o = jnp.tanh(ruo[:, H_SIZE:])
    out_ref[...] = o * u + (1.0 - u) * ht


_tc_dense = pl.pallas_call(
    _tc_body,
    out_shape=jax.ShapeDtypeStruct((N_NODES, H_SIZE), jnp.float32),
    grid=(N_NODES // ROW_BLK,),
    in_specs=[
        pl.BlockSpec((ROW_BLK, H_SIZE), lambda i: (i, 0)),
        pl.BlockSpec((ROW_BLK, HALF), lambda i: (i, 0)),
        pl.BlockSpec((ROW_BLK, HALF), lambda i: (i + N_NODES // ROW_BLK, 0)),
        pl.BlockSpec((H_SIZE, 2 * H_SIZE), lambda i: (0, 0)),
        pl.BlockSpec((H_SIZE, 2 * H_SIZE), lambda i: (0, 0)),
        pl.BlockSpec((1, 2 * H_SIZE), lambda i: (0, 0)),
    ],
    out_specs=pl.BlockSpec((ROW_BLK, H_SIZE), lambda i: (i, 0)),
)


def kernel(x, h, edge_index, W_ruo, U_ruo, b_ruo):
    src = edge_index[0].astype(jnp.int32)
    dst = edge_index[1].astype(jnp.int32)

    g0 = src * 2
    gidx = jnp.stack([g0, g0 + 1]).reshape(2, 16, NCHUNK, K)
    sidx = dst.reshape(16, NCHUNK, K)

    h2 = h.reshape(2 * N_NODES, HALF)
    zeros = jnp.zeros((ROWS_PER_SUB, HALF), jnp.float32)

    ht_flat = _sc_segment_sum(h2, gidx, sidx, zeros)
    return _tc_dense(x, ht_flat, ht_flat, W_ruo[:, H_SIZE:],
                     U_ruo[:, H_SIZE:], b_ruo[:, H_SIZE:])

# --- scband reference (transcript-rebuilt; emitter-appended) ---
"""Pipeline reference for scband-child-sum-tree-grucell-16441134809399 (READ-ONLY COPY).

The authoritative reference and input builder live on the scoring server;
editing this copy changes nothing except your own understanding.
"""

import jax, jax.numpy as jnp
import numpy as np

N_NODES = 10000
N_EDGES = 160000
X_SIZE = 256
H_SIZE = 256


def setup_inputs(seed: int = 0) -> dict:
    key = jax.random.key(seed)
    k1, k2, k3, k4, k5 = jax.random.split(key, 5)
    x = jax.random.normal(k1, (N_NODES, X_SIZE), dtype=jnp.float32)
    h = jax.random.normal(k2, (N_NODES, H_SIZE), dtype=jnp.float32)
    edge_index = jax.random.randint(k3, (2, N_EDGES), 0, N_NODES, dtype=jnp.int64)
    # Learned parameters (torch Linear weights are [out, in]; stored here as [in, out] for x @ W)
    W_ruo = jax.random.normal(k4, (X_SIZE, 3 * H_SIZE), dtype=jnp.float32) * (1.0 / np.sqrt(X_SIZE))
    U_ruo = jax.random.normal(k5, (H_SIZE, 3 * H_SIZE), dtype=jnp.float32) * (1.0 / np.sqrt(H_SIZE))
    b_ruo = jnp.zeros((1, 3 * H_SIZE), dtype=jnp.float32)
    return {"x": x, "h": h, "edge_index": edge_index, "W_ruo": W_ruo, "U_ruo": U_ruo, "b_ruo": b_ruo}


def reference(x, h, edge_index, W_ruo, U_ruo, b_ruo):
    # nodes.data['ruo'] = W_ruo(x)  (precomputed per-node projection, as in DGL TreeGRU usage)
    ruo = x @ W_ruo
    # message_func: gather src 'h' along edges
    src, dst = edge_index[0], edge_index[1]
    h_src = jnp.take(h, src, axis=0)
    # reduce_func: h_tild = sum of mailbox h per dst node; ruo += U_ruo(h_tild)
    h_tild = jax.ops.segment_sum(h_src, dst, num_segments=N_NODES)
    ruo = ruo + h_tild @ U_ruo
    # apply_node_func
    ruo = ruo + b_ruo
    r, u, o = jnp.split(ruo, 3, axis=1)
    r = jax.nn.sigmoid(r)
    u = jax.nn.sigmoid(u)
    o = jnp.tanh(o)
    u_2 = (1.0 - u) * h_tild  # nodes.data['h'] was set to h_tild in reduce
    h_new = o * u + u_2
    return h_new

if __name__ == "__main__":
    import jax
    _d = setup_inputs()
    print(jax.jit(kernel)(*tuple(_d.values())))

</pallas_src>

<mosaic_0001>
#map = affine_map<(d0, d1) -> (0, 0)>
#map1 = affine_map<(d0, d1) -> (0, 0, 0, 0)>
#map2 = affine_map<(d0, d1) -> (0, 0, 0)>
module attributes {stable_mosaic.version = 14 : i64} {
  func.func @_sc_body(%arg0: i32, %arg1: i32, %arg2: memref<20000x128xf32, #tpu.memory_space<hbm>>, %arg3: memref<2x16x40x250xi32, #tpu.memory_space<hbm>>, %arg4: memref<16x40x250xi32, #tpu.memory_space<hbm>>, %arg5: memref<640x128xf32, #tpu.memory_space<hbm>>, %arg6: memref<20000x128xf32, #tpu.memory_space<hbm>>, %arg7: memref<10240x128xf32, #tpu.memory_space<vmem_shared>>, %arg8: memref<250xi32, #tpu.memory_space<vmem>>, %arg9: memref<250xi32, #tpu.memory_space<vmem>>, %arg10: memref<250xi32, #tpu.memory_space<vmem>>, %arg11: memref<250xi32, #tpu.memory_space<vmem>>, %arg12: memref<250x128xf32, #tpu.memory_space<vmem>>, %arg13: memref<!tpu.dma_semaphore, #tpu.memory_space<semaphore_mem>>, %arg14: memref<!tpu.dma_semaphore, #tpu.memory_space<semaphore_mem>>, %arg15: memref<!tpu.dma_semaphore, #tpu.memory_space<semaphore_mem>>, %arg16: memref<!tpu.dma_semaphore, #tpu.memory_space<semaphore_mem>>, %arg17: memref<!tpu.dma_semaphore, #tpu.memory_space<semaphore_mem>>) attributes {dimension_semantics = [#tpu.dimension_semantics<core_parallel>, #tpu.dimension_semantics<subcore_parallel>], iteration_bounds = array<i64: 2, 16>, scalar_prefetch = 0 : i64, scratch_operands = 11 : i64, tpu.core_type = #tpu.core_type<sc_vector_subcore>, window_params = [{transform_indices = #map}, {transform_indices = #map1}, {transform_indices = #map2}, {transform_indices = #map}, {transform_indices = #map}]} {
    %mul3A = arith.constant 640 : i32
    %mul3A_0 = arith.muli %arg1, %mul3A : i32
    "tpu.region"() ({
      %run_scoped3A_42 = tpu.sem_alloc : memref<!tpu.dma_semaphore, #tpu.memory_space<semaphore_mem>>
      %dma_start3A_43 = arith.constant 0 : i32
      %dma_start3A_44 = tpu.memref_slice %arg7[%mul3A_0, %dma_start3A_43] : memref<10240x128xf32, #tpu.memory_space<vmem_shared>> -> memref<640x128xf32, #tpu.memory_space<vmem_shared>>
      tpu.enqueue_dma source(%arg5 : memref<640x128xf32, #tpu.memory_space<hbm>>) target(%dma_start3A_44 : memref<640x128xf32, #tpu.memory_space<vmem_shared>>) target_semaphore(%run_scoped3A_42 : memref<!tpu.dma_semaphore, #tpu.memory_space<semaphore_mem>>)
      %dma_wait3A_45 = arith.constant 0 : i32
      %dma_wait3A_46 = tpu.memref_slice %arg7[%mul3A_0, %dma_wait3A_45] : memref<10240x128xf32, #tpu.memory_space<vmem_shared>> -> memref<640x128xf32, #tpu.memory_space<vmem_shared>>
      tpu.wait_dma2 semaphore(%run_scoped3A_42 : memref<!tpu.dma_semaphore, #tpu.memory_space<semaphore_mem>>) src(%arg5 : memref<640x128xf32, #tpu.memory_space<hbm>>) dst(%dma_wait3A_46 : memref<640x128xf32, #tpu.memory_space<vmem_shared>>)
      tpu.yield
    }) : () -> ()
    %run_scoped3A = arith.constant 0 : i32
    "tpu.region"() ({
      %run_scoped3A_42 = tpu.sem_alloc : memref<!tpu.dma_semaphore, #tpu.memory_space<semaphore_mem>>
      %dma_start3A_43 = arith.constant 0 : i32
      %dma_start3A_44 = tpu.memref_slice %arg3[%arg0, %arg1, %run_scoped3A, %dma_start3A_43] : memref<2x16x40x250xi32, #tpu.memory_space<hbm>> -> memref<1x1x1x250xi32, #tpu.memory_space<hbm>>
      %dma_start3A_45 = tpu.memref_squeeze %dma_start3A_44 : memref<1x1x1x250xi32, #tpu.memory_space<hbm>> -> memref<250xi32, #tpu.memory_space<hbm>>
      %dma_start3A_46 = arith.constant 0 : i32
      %dma_start3A_47 = tpu.memref_slice %arg3[%arg0, %arg1, %run_scoped3A, %dma_start3A_46] : memref<2x16x40x250xi32, #tpu.memory_space<hbm>> -> memref<1x1x1x250xi32, #tpu.memory_space<hbm>>
      %dma_start3A_48 = tpu.memref_squeeze %dma_start3A_47 : memref<1x1x1x250xi32, #tpu.memory_space<hbm>> -> memref<250xi32, #tpu.memory_space<hbm>>
      tpu.enqueue_dma source(%dma_start3A_48 : memref<250xi32, #tpu.memory_space<hbm>>) target(%arg8 : memref<250xi32, #tpu.memory_space<vmem>>) target_semaphore(%run_scoped3A_42 : memref<!tpu.dma_semaphore, #tpu.memory_space<semaphore_mem>>)
      %dma_wait3A_49 = arith.constant 0 : i32
      %dma_wait3A_50 = tpu.memref_slice %arg3[%arg0, %arg1, %run_scoped3A, %dma_wait3A_49] : memref<2x16x40x250xi32, #tpu.memory_space<hbm>> -> memref<1x1x1x250xi32, #tpu.memory_space<hbm>>
      %dma_wait3A_51 = tpu.memref_squeeze %dma_wait3A_50 : memref<1x1x1x250xi32, #tpu.memory_space<hbm>> -> memref<250xi32, #tpu.memory_space<hbm>>
      %dma_wait3A_52 = arith.constant 0 : i32
      %dma_wait3A_53 = tpu.memref_slice %arg3[%arg0, %arg1, %run_scoped3A, %dma_wait3A_52] : memref<2x16x40x250xi32, #tpu.memory_space<hbm>> -> memref<1x1x1x250xi32, #tpu.memory_space<hbm>>
      %dma_wait3A_54 = tpu.memref_squeeze %dma_wait3A_53 : memref<1x1x1x250xi32, #tpu.memory_space<hbm>> -> memref<250xi32, #tpu.memory_space<hbm>>
      tpu.wait_dma2 semaphore(%run_scoped3A_42 : memref<!tpu.dma_semaphore, #tpu.memory_space<semaphore_mem>>) src(%dma_wait3A_54 : memref<250xi32, #tpu.memory_space<hbm>>) dst(%arg8 : memref<250xi32, #tpu.memory_space<vmem>>)
      tpu.yield
    }) : () -> ()
    %run_scoped3A_1 = arith.constant 0 : i32
    "tpu.region"() ({
      %run_scoped3A_42 = tpu.sem_alloc : memref<!tpu.dma_semaphore, #tpu.memory_space<semaphore_mem>>
      %dma_start3A_43 = arith.constant 0 : i32
      %dma_start3A_44 = tpu.memref_slice %arg4[%arg1, %run_scoped3A_1, %dma_start3A_43] : memref<16x40x250xi32, #tpu.memory_space<hbm>> -> memref<1x1x250xi32, #tpu.memory_space<hbm>>
      %dma_start3A_45 = tpu.memref_squeeze %dma_start3A_44 : memref<1x1x250xi32, #tpu.memory_space<hbm>> -> memref<250xi32, #tpu.memory_space<hbm>>
      %dma_start3A_46 = arith.constant 0 : i32
      %dma_start3A_47 = tpu.memref_slice %arg4[%arg1, %run_scoped3A_1, %dma_start3A_46] : memref<16x40x250xi32, #tpu.memory_space<hbm>> -> memref<1x1x250xi32, #tpu.memory_space<hbm>>
      %dma_start3A_48 = tpu.memref_squeeze %dma_start3A_47 : memref<1x1x250xi32, #tpu.memory_space<hbm>> -> memref<250xi32, #tpu.memory_space<hbm>>
      tpu.enqueue_dma source(%dma_start3A_48 : memref<250xi32, #tpu.memory_space<hbm>>) target(%arg9 : memref<250xi32, #tpu.memory_space<vmem>>) target_semaphore(%run_scoped3A_42 : memref<!tpu.dma_semaphore, #tpu.memory_space<semaphore_mem>>)
      %dma_wait3A_49 = arith.constant 0 : i32
      %dma_wait3A_50 = tpu.memref_slice %arg4[%arg1, %run_scoped3A_1, %dma_wait3A_49] : memref<16x40x250xi32, #tpu.memory_space<hbm>> -> memref<1x1x250xi32, #tpu.memory_space<hbm>>
      %dma_wait3A_51 = tpu.memref_squeeze %dma_wait3A_50 : memref<1x1x250xi32, #tpu.memory_space<hbm>> -> memref<250xi32, #tpu.memory_space<hbm>>
      %dma_wait3A_52 = arith.constant 0 : i32
      %dma_wait3A_53 = tpu.memref_slice %arg4[%arg1, %run_scoped3A_1, %dma_wait3A_52] : memref<16x40x250xi32, #tpu.memory_space<hbm>> -> memref<1x1x250xi32, #tpu.memory_space<hbm>>
      %dma_wait3A_54 = tpu.memref_squeeze %dma_wait3A_53 : memref<1x1x250xi32, #tpu.memory_space<hbm>> -> memref<250xi32, #tpu.memory_space<hbm>>
      tpu.wait_dma2 semaphore(%run_scoped3A_42 : memref<!tpu.dma_semaphore, #tpu.memory_space<semaphore_mem>>) src(%dma_wait3A_54 : memref<250xi32, #tpu.memory_space<hbm>>) dst(%arg9 : memref<250xi32, #tpu.memory_space<vmem>>)
      tpu.yield
    }) : () -> ()
    %dma_start3A = arith.constant 1 : i32
    %dma_start3A_2 = arith.constant 0 : i32
    %dma_start3A_3 = tpu.memref_slice %arg3[%arg0, %arg1, %dma_start3A, %dma_start3A_2] : memref<2x16x40x250xi32, #tpu.memory_space<hbm>> -> memref<1x1x1x250xi32, #tpu.memory_space<hbm>>
    %dma_start3A_4 = tpu.memref_squeeze %dma_start3A_3 : memref<1x1x1x250xi32, #tpu.memory_space<hbm>> -> memref<250xi32, #tpu.memory_space<hbm>>
    %dma_start3A_5 = arith.constant 0 : i32
    %dma_start3A_6 = tpu.memref_slice %arg3[%arg0, %arg1, %dma_start3A, %dma_start3A_5] : memref<2x16x40x250xi32, #tpu.memory_space<hbm>> -> memref<1x1x1x250xi32, #tpu.memory_space<hbm>>
    %dma_start3A_7 = tpu.memref_squeeze %dma_start3A_6 : memref<1x1x1x250xi32, #tpu.memory_space<hbm>> -> memref<250xi32, #tpu.memory_space<hbm>>
    tpu.enqueue_dma source(%dma_start3A_7 : memref<250xi32, #tpu.memory_space<hbm>>) target(%arg10 : memref<250xi32, #tpu.memory_space<vmem>>) target_semaphore(%arg16 : memref<!tpu.dma_semaphore, #tpu.memory_space<semaphore_mem>>)
    %dma_start3A_8 = arith.constant 1 : i32
    %dma_start3A_9 = arith.constant 0 : i32
    %dma_start3A_10 = tpu.memref_slice %arg4[%arg1, %dma_start3A_8, %dma_start3A_9] : memref<16x40x250xi32, #tpu.memory_space<hbm>> -> memref<1x1x250xi32, #tpu.memory_space<hbm>>
    %dma_start3A_11 = tpu.memref_squeeze %dma_start3A_10 : memref<1x1x250xi32, #tpu.memory_space<hbm>> -> memref<250xi32, #tpu.memory_space<hbm>>
    %dma_start3A_12 = arith.constant 0 : i32
    %dma_start3A_13 = tpu.memref_slice %arg4[%arg1, %dma_start3A_8, %dma_start3A_12] : memref<16x40x250xi32, #tpu.memory_space<hbm>> -> memref<1x1x250xi32, #tpu.memory_space<hbm>>
    %dma_start3A_14 = tpu.memref_squeeze %dma_start3A_13 : memref<1x1x250xi32, #tpu.memory_space<hbm>> -> memref<250xi32, #tpu.memory_space<hbm>>
    tpu.enqueue_dma source(%dma_start3A_14 : memref<250xi32, #tpu.memory_space<hbm>>) target(%arg11 : memref<250xi32, #tpu.memory_space<vmem>>) target_semaphore(%arg17 : memref<!tpu.dma_semaphore, #tpu.memory_space<semaphore_mem>>)
    %barrier3A = arith.constant 0 : index
    tpu.barrier barrier_id(%barrier3A)
    %scan3A = arith.constant 0 : i32
    %scan3A_15 = arith.constant 0 : i32
    %scan3A_16 = arith.constant 20 : i32
    %scan3A_17 = arith.addi %scan3A_15, %scan3A_16 : i32
    %scan3A_18 = arith.constant 1 : i32
    scf.for %scan3A_42 = %scan3A_15 to %scan3A_17 step %scan3A_18  : i32 {
      %mul3A_43 = arith.constant 2 : i32
      %mul3A_44 = arith.muli %mul3A_43, %scan3A_42 : i32
      %add3A_45 = arith.constant 1 : i32
      %add3A_46 = arith.addi %mul3A_44, %add3A_45 : i32
      %dma_start3A_47 = arith.constant 0 : i32
      %dma_start3A_48 = arith.constant 0 : i32
      %dma_start3A_49 = tpu.memref_slice %arg2[%dma_start3A_47, %dma_start3A_48] : memref<20000x128xf32, #tpu.memory_space<hbm>> -> memref<20000x128xf32, #tpu.memory_space<hbm>>
      tpu.enqueue_indirect_dma source(%dma_start3A_49 : memref<20000x128xf32, #tpu.memory_space<hbm>>) target(%arg12 : memref<250x128xf32, #tpu.memory_space<vmem>>) offsets(%arg8 : memref<250xi32, #tpu.memory_space<vmem>>) semaphore(%arg13 : memref<!tpu.dma_semaphore, #tpu.memory_space<semaphore_mem>>)
      %dma_wait3A_50 = arith.constant 0 : i32
      %dma_wait3A_51 = arith.constant 0 : i32
      %dma_wait3A_52 = tpu.memref_slice %arg2[%dma_wait3A_50, %dma_wait3A_51] : memref<20000x128xf32, #tpu.memory_space<hbm>> -> memref<20000x128xf32, #tpu.memory_space<hbm>>
      tpu.wait_indirect_dma semaphore(%arg13 : memref<!tpu.dma_semaphore, #tpu.memory_space<semaphore_mem>>) src(%dma_wait3A_52 : memref<20000x128xf32, #tpu.memory_space<hbm>>) dst(%arg12 : memref<250x128xf32, #tpu.memory_space<vmem>>)
      "tpu.region"() ({
        %run_scoped3A_114 = tpu.sem_alloc : memref<!tpu.dma_semaphore, #tpu.memory_space<semaphore_mem>>
        %dma_start3A_115 = arith.constant 0 : i32
        %dma_start3A_116 = arith.constant 0 : i32
        %dma_start3A_117 = tpu.memref_slice %arg7[%dma_start3A_115, %dma_start3A_116] : memref<10240x128xf32, #tpu.memory_space<vmem_shared>> -> memref<10240x128xf32, #tpu.memory_space<vmem_shared>>
        tpu.enqueue_indirect_dma source(%arg12 : memref<250x128xf32, #tpu.memory_space<vmem>>) target(%dma_start3A_117 : memref<10240x128xf32, #tpu.memory_space<vmem_shared>>) offsets(%arg9 : memref<250xi32, #tpu.memory_space<vmem>>) semaphore(%run_scoped3A_114 : memref<!tpu.dma_semaphore, #tpu.memory_space<semaphore_mem>>) {add = true}
        %dma_wait3A_118 = arith.constant 0 : i32
        %dma_wait3A_119 = arith.constant 0 : i32
        %dma_wait3A_120 = tpu.memref_slice %arg7[%dma_wait3A_118, %dma_wait3A_119] : memref<10240x128xf32, #tpu.memory_space<vmem_shared>> -> memref<10240x128xf32, #tpu.memory_space<vmem_shared>>
        tpu.wait_indirect_dma semaphore(%run_scoped3A_114 : memref<!tpu.dma_semaphore, #tpu.memory_space<semaphore_mem>>) src(%arg12 : memref<250x128xf32, #tpu.memory_space<vmem>>) dst(%dma_wait3A_120 : memref<10240x128xf32, #tpu.memory_space<vmem_shared>>)
        tpu.yield
      }) : () -> ()
      %add3A_53 = arith.constant 2 : i32
      %add3A_54 = arith.addi %mul3A_44, %add3A_53 : i32
      %min3A = arith.constant 38 : i32
      %min3A_55 = arith.minsi %add3A_54, %min3A : i32
      %dma_start3A_56 = arith.constant 0 : i32
      %dma_start3A_57 = tpu.memref_slice %arg3[%arg0, %arg1, %min3A_55, %dma_start3A_56] : memref<2x16x40x250xi32, #tpu.memory_space<hbm>> -> memref<1x1x1x250xi32, #tpu.memory_space<hbm>>
      %dma_start3A_58 = tpu.memref_squeeze %dma_start3A_57 : memref<1x1x1x250xi32, #tpu.memory_space<hbm>> -> memref<250xi32, #tpu.memory_space<hbm>>
      %dma_start3A_59 = arith.constant 0 : i32
      %dma_start3A_60 = tpu.memref_slice %arg3[%arg0, %arg1, %min3A_55, %dma_start3A_59] : memref<2x16x40x250xi32, #tpu.memory_space<hbm>> -> memref<1x1x1x250xi32, #tpu.memory_space<hbm>>
      %dma_start3A_61 = tpu.memref_squeeze %dma_start3A_60 : memref<1x1x1x250xi32, #tpu.memory_space<hbm>> -> memref<250xi32, #tpu.memory_space<hbm>>
      tpu.enqueue_dma source(%dma_start3A_61 : memref<250xi32, #tpu.memory_space<hbm>>) target(%arg8 : memref<250xi32, #tpu.memory_space<vmem>>) target_semaphore(%arg14 : memref<!tpu.dma_semaphore, #tpu.memory_space<semaphore_mem>>)
      %dma_start3A_62 = arith.constant 0 : i32
      %dma_start3A_63 = tpu.memref_slice %arg4[%arg1, %min3A_55, %dma_start3A_62] : memref<16x40x250xi32, #tpu.memory_space<hbm>> -> memref<1x1x250xi32, #tpu.memory_space<hbm>>
      %dma_start3A_64 = tpu.memref_squeeze %dma_start3A_63 : memref<1x1x250xi32, #tpu.memory_space<hbm>> -> memref<250xi32, #tpu.memory_space<hbm>>
      %dma_start3A_65 = arith.constant 0 : i32
      %dma_start3A_66 = tpu.memref_slice %arg4[%arg1, %min3A_55, %dma_start3A_65] : memref<16x40x250xi32, #tpu.memory_space<hbm>> -> memref<1x1x250xi32, #tpu.memory_space<hbm>>
      %dma_start3A_67 = tpu.memref_squeeze %dma_start3A_66 : memref<1x1x250xi32, #tpu.memory_space<hbm>> -> memref<250xi32, #tpu.memory_space<hbm>>
      tpu.enqueue_dma source(%dma_start3A_67 : memref<250xi32, #tpu.memory_space<hbm>>) target(%arg9 : memref<250xi32, #tpu.memory_space<vmem>>) target_semaphore(%arg15 : memref<!tpu.dma_semaphore, #tpu.memory_space<semaphore_mem>>)
      %dma_wait3A_68 = arith.constant 0 : i32
      %dma_wait3A_69 = tpu.memref_slice %arg3[%arg0, %arg1, %add3A_46, %dma_wait3A_68] : memref<2x16x40x250xi32, #tpu.memory_space<hbm>> -> memref<1x1x1x250xi32, #tpu.memory_space<hbm>>
      %dma_wait3A_70 = tpu.memref_squeeze %dma_wait3A_69 : memref<1x1x1x250xi32, #tpu.memory_space<hbm>> -> memref<250xi32, #tpu.memory_space<hbm>>
      %dma_wait3A_71 = arith.constant 0 : i32
      %dma_wait3A_72 = tpu.memref_slice %arg3[%arg0, %arg1, %add3A_46, %dma_wait3A_71] : memref<2x16x40x250xi32, #tpu.memory_space<hbm>> -> memref<1x1x1x250xi32, #tpu.memory_space<hbm>>
      %dma_wait3A_73 = tpu.memref_squeeze %dma_wait3A_72 : memref<1x1x1x250xi32, #tpu.memory_space<hbm>> -> memref<250xi32, #tpu.memory_space<hbm>>
      tpu.wait_dma2 semaphore(%arg16 : memref<!tpu.dma_semaphore, #tpu.memory_space<semaphore_mem>>) src(%dma_wait3A_73 : memref<250xi32, #tpu.memory_space<hbm>>) dst(%arg10 : memref<250xi32, #tpu.memory_space<vmem>>)
      %dma_wait3A_74 = arith.constant 0 : i32
      %dma_wait3A_75 = tpu.memref_slice %arg4[%arg1, %add3A_46, %dma_wait3A_74] : memref<16x40x250xi32, #tpu.memory_space<hbm>> -> memref<1x1x250xi32, #tpu.memory_space<hbm>>
      %dma_wait3A_76 = tpu.memref_squeeze %dma_wait3A_75 : memref<1x1x250xi32, #tpu.memory_space<hbm>> -> memref<250xi32, #tpu.memory_space<hbm>>
      %dma_wait3A_77 = arith.constant 0 : i32
      %dma_wait3A_78 = tpu.memref_slice %arg4[%arg1, %add3A_46, %dma_wait3A_77] : memref<16x40x250xi32, #tpu.memory_space<hbm>> -> memref<1x1x250xi32, #tpu.memory_space<hbm>>
      %dma_wait3A_79 = tpu.memref_squeeze %dma_wait3A_78 : memref<1x1x250xi32, #tpu.memory_space<hbm>> -> memref<250xi32, #tpu.memory_space<hbm>>
      tpu.wait_dma2 semaphore(%arg17 : memref<!tpu.dma_semaphore, #tpu.memory_space<semaphore_mem>>) src(%dma_wait3A_79 : memref<250xi32, #tpu.memory_space<hbm>>) dst(%arg11 : memref<250xi32, #tpu.memory_space<vmem>>)
      %dma_start3A_80 = arith.constant 0 : i32
      %dma_start3A_81 = arith.constant 0 : i32
      %dma_start3A_82 = tpu.memref_slice %arg2[%dma_start3A_80, %dma_start3A_81] : memref<20000x128xf32, #tpu.memory_space<hbm>> -> memref<20000x128xf32, #tpu.memory_space<hbm>>
      tpu.enqueue_indirect_dma source(%dma_start3A_82 : memref<20000x128xf32, #tpu.memory_space<hbm>>) target(%arg12 : memref<250x128xf32, #tpu.memory_space<vmem>>) offsets(%arg10 : memref<250xi32, #tpu.memory_space<vmem>>) semaphore(%arg13 : memref<!tpu.dma_semaphore, #tpu.memory_space<semaphore_mem>>)
      %dma_wait3A_83 = arith.constant 0 : i32
      %dma_wait3A_84 = arith.constant 0 : i32
      %dma_wait3A_85 = tpu.memref_slice %arg2[%dma_wait3A_83, %dma_wait3A_84] : memref<20000x128xf32, #tpu.memory_space<hbm>> -> memref<20000x128xf32, #tpu.memory_space<hbm>>
      tpu.wait_indirect_dma semaphore(%arg13 : memref<!tpu.dma_semaphore, #tpu.memory_space<semaphore_mem>>) src(%dma_wait3A_85 : memref<20000x128xf32, #tpu.memory_space<hbm>>) dst(%arg12 : memref<250x128xf32, #tpu.memory_space<vmem>>)
      "tpu.region"() ({
        %run_scoped3A_114 = tpu.sem_alloc : memref<!tpu.dma_semaphore, #tpu.memory_space<semaphore_mem>>
        %dma_start3A_115 = arith.constant 0 : i32
        %dma_start3A_116 = arith.constant 0 : i32
        %dma_start3A_117 = tpu.memref_slice %arg7[%dma_start3A_115, %dma_start3A_116] : memref<10240x128xf32, #tpu.memory_space<vmem_shared>> -> memref<10240x128xf32, #tpu.memory_space<vmem_shared>>
        tpu.enqueue_indirect_dma source(%arg12 : memref<250x128xf32, #tpu.memory_space<vmem>>) target(%dma_start3A_117 : memref<10240x128xf32, #tpu.memory_space<vmem_shared>>) offsets(%arg11 : memref<250xi32, #tpu.memory_space<vmem>>) semaphore(%run_scoped3A_114 : memref<!tpu.dma_semaphore, #tpu.memory_space<semaphore_mem>>) {add = true}
        %dma_wait3A_118 = arith.constant 0 : i32
        %dma_wait3A_119 = arith.constant 0 : i32
        %dma_wait3A_120 = tpu.memref_slice %arg7[%dma_wait3A_118, %dma_wait3A_119] : memref<10240x128xf32, #tpu.memory_space<vmem_shared>> -> memref<10240x128xf32, #tpu.memory_space<vmem_shared>>
        tpu.wait_indirect_dma semaphore(%run_scoped3A_114 : memref<!tpu.dma_semaphore, #tpu.memory_space<semaphore_mem>>) src(%arg12 : memref<250x128xf32, #tpu.memory_space<vmem>>) dst(%dma_wait3A_120 : memref<10240x128xf32, #tpu.memory_space<vmem_shared>>)
        tpu.yield
      }) : () -> ()
      %add3A_86 = arith.constant 2 : i32
      %add3A_87 = arith.addi %add3A_46, %add3A_86 : i32
      %min3A_88 = arith.constant 39 : i32
      %min3A_89 = arith.minsi %add3A_87, %min3A_88 : i32
      %dma_start3A_90 = arith.constant 0 : i32
      %dma_start3A_91 = tpu.memref_slice %arg3[%arg0, %arg1, %min3A_89, %dma_start3A_90] : memref<2x16x40x250xi32, #tpu.memory_space<hbm>> -> memref<1x1x1x250xi32, #tpu.memory_space<hbm>>
      %dma_start3A_92 = tpu.memref_squeeze %dma_start3A_91 : memref<1x1x1x250xi32, #tpu.memory_space<hbm>> -> memref<250xi32, #tpu.memory_space<hbm>>
      %dma_start3A_93 = arith.constant 0 : i32
      %dma_start3A_94 = tpu.memref_slice %arg3[%arg0, %arg1, %min3A_89, %dma_start3A_93] : memref<2x16x40x250xi32, #tpu.memory_space<hbm>> -> memref<1x1x1x250xi32, #tpu.memory_space<hbm>>
      %dma_start3A_95 = tpu.memref_squeeze %dma_start3A_94 : memref<1x1x1x250xi32, #tpu.memory_space<hbm>> -> memref<250xi32, #tpu.memory_space<hbm>>
      tpu.enqueue_dma source(%dma_start3A_95 : memref<250xi32, #tpu.memory_space<hbm>>) target(%arg10 : memref<250xi32, #tpu.memory_space<vmem>>) target_semaphore(%arg16 : memref<!tpu.dma_semaphore, #tpu.memory_space<semaphore_mem>>)
      %dma_start3A_96 = arith.constant 0 : i32
      %dma_start3A_97 = tpu.memref_slice %arg4[%arg1, %min3A_89, %dma_start3A_96] : memref<16x40x250xi32, #tpu.memory_space<hbm>> -> memref<1x1x250xi32, #tpu.memory_space<hbm>>
      %dma_start3A_98 = tpu.memref_squeeze %dma_start3A_97 : memref<1x1x250xi32, #tpu.memory_space<hbm>> -> memref<250xi32, #tpu.memory_space<hbm>>
      %dma_start3A_99 = arith.constant 0 : i32
      %dma_start3A_100 = tpu.memref_slice %arg4[%arg1, %min3A_89, %dma_start3A_99] : memref<16x40x250xi32, #tpu.memory_space<hbm>> -> memref<1x1x250xi32, #tpu.memory_space<hbm>>
      %dma_start3A_101 = tpu.memref_squeeze %dma_start3A_100 : memref<1x1x250xi32, #tpu.memory_space<hbm>> -> memref<250xi32, #tpu.memory_space<hbm>>
      tpu.enqueue_dma source(%dma_start3A_101 : memref<250xi32, #tpu.memory_space<hbm>>) target(%arg11 : memref<250xi32, #tpu.memory_space<vmem>>) target_semaphore(%arg17 : memref<!tpu.dma_semaphore, #tpu.memory_space<semaphore_mem>>)
      %dma_wait3A_102 = arith.constant 0 : i32
      %dma_wait3A_103 = tpu.memref_slice %arg3[%arg0, %arg1, %min3A_55, %dma_wait3A_102] : memref<2x16x40x250xi32, #tpu.memory_space<hbm>> -> memref<1x1x1x250xi32, #tpu.memory_space<hbm>>
      %dma_wait3A_104 = tpu.memref_squeeze %dma_wait3A_103 : memref<1x1x1x250xi32, #tpu.memory_space<hbm>> -> memref<250xi32, #tpu.memory_space<hbm>>
      %dma_wait3A_105 = arith.constant 0 : i32
      %dma_wait3A_106 = tpu.memref_slice %arg3[%arg0, %arg1, %min3A_55, %dma_wait3A_105] : memref<2x16x40x250xi32, #tpu.memory_space<hbm>> -> memref<1x1x1x250xi32, #tpu.memory_space<hbm>>
      %dma_wait3A_107 = tpu.memref_squeeze %dma_wait3A_106 : memref<1x1x1x250xi32, #tpu.memory_space<hbm>> -> memref<250xi32, #tpu.memory_space<hbm>>
      tpu.wait_dma2 semaphore(%arg14 : memref<!tpu.dma_semaphore, #tpu.memory_space<semaphore_mem>>) src(%dma_wait3A_107 : memref<250xi32, #tpu.memory_space<hbm>>) dst(%arg8 : memref<250xi32, #tpu.memory_space<vmem>>)
      %dma_wait3A_108 = arith.constant 0 : i32
      %dma_wait3A_109 = tpu.memref_slice %arg4[%arg1, %min3A_55, %dma_wait3A_108] : memref<16x40x250xi32, #tpu.memory_space<hbm>> -> memref<1x1x250xi32, #tpu.memory_space<hbm>>
      %dma_wait3A_110 = tpu.memref_squeeze %dma_wait3A_109 : memref<1x1x250xi32, #tpu.memory_space<hbm>> -> memref<250xi32, #tpu.memory_space<hbm>>
      %dma_wait3A_111 = arith.constant 0 : i32
      %dma_wait3A_112 = tpu.memref_slice %arg4[%arg1, %min3A_55, %dma_wait3A_111] : memref<16x40x250xi32, #tpu.memory_space<hbm>> -> memref<1x1x250xi32, #tpu.memory_space<hbm>>
      %dma_wait3A_113 = tpu.memref_squeeze %dma_wait3A_112 : memref<1x1x250xi32, #tpu.memory_space<hbm>> -> memref<250xi32, #tpu.memory_space<hbm>>
      tpu.wait_dma2 semaphore(%arg15 : memref<!tpu.dma_semaphore, #tpu.memory_space<semaphore_mem>>) src(%dma_wait3A_113 : memref<250xi32, #tpu.memory_space<hbm>>) dst(%arg9 : memref<250xi32, #tpu.memory_space<vmem>>)
    }
    %scan3A_19 = arith.constant 20 : i32
    %dma_wait3A = arith.constant 39 : i32
    %dma_wait3A_20 = arith.constant 0 : i32
    %dma_wait3A_21 = tpu.memref_slice %arg3[%arg0, %arg1, %dma_wait3A, %dma_wait3A_20] : memref<2x16x40x250xi32, #tpu.memory_space<hbm>> -> memref<1x1x1x250xi32, #tpu.memory_space<hbm>>
    %dma_wait3A_22 = tpu.memref_squeeze %dma_wait3A_21 : memref<1x1x1x250xi32, #tpu.memory_space<hbm>> -> memref<250xi32, #tpu.memory_space<hbm>>
    %dma_wait3A_23 = arith.constant 0 : i32
    %dma_wait3A_24 = tpu.memref_slice %arg3[%arg0, %arg1, %dma_wait3A, %dma_wait3A_23] : memref<2x16x40x250xi32, #tpu.memory_space<hbm>> -> memref<1x1x1x250xi32, #tpu.memory_space<hbm>>
    %dma_wait3A_25 = tpu.memref_squeeze %dma_wait3A_24 : memref<1x1x1x250xi32, #tpu.memory_space<hbm>> -> memref<250xi32, #tpu.memory_space<hbm>>
    tpu.wait_dma2 semaphore(%arg16 : memref<!tpu.dma_semaphore, #tpu.memory_space<semaphore_mem>>) src(%dma_wait3A_25 : memref<250xi32, #tpu.memory_space<hbm>>) dst(%arg10 : memref<250xi32, #tpu.memory_space<vmem>>)
    %dma_wait3A_26 = arith.constant 39 : i32
    %dma_wait3A_27 = arith.constant 0 : i32
    %dma_wait3A_28 = tpu.memref_slice %arg4[%arg1, %dma_wait3A_26, %dma_wait3A_27] : memref<16x40x250xi32, #tpu.memory_space<hbm>> -> memref<1x1x250xi32, #tpu.memory_space<hbm>>
    %dma_wait3A_29 = tpu.memref_squeeze %dma_wait3A_28 : memref<1x1x250xi32, #tpu.memory_space<hbm>> -> memref<250xi32, #tpu.memory_space<hbm>>
    %dma_wait3A_30 = arith.constant 0 : i32
    %dma_wait3A_31 = tpu.memref_slice %arg4[%arg1, %dma_wait3A_26, %dma_wait3A_30] : memref<16x40x250xi32, #tpu.memory_space<hbm>> -> memref<1x1x250xi32, #tpu.memory_space<hbm>>
    %dma_wait3A_32 = tpu.memref_squeeze %dma_wait3A_31 : memref<1x1x250xi32, #tpu.memory_space<hbm>> -> memref<250xi32, #tpu.memory_space<hbm>>
    tpu.wait_dma2 semaphore(%arg17 : memref<!tpu.dma_semaphore, #tpu.memory_space<semaphore_mem>>) src(%dma_wait3A_32 : memref<250xi32, #tpu.memory_space<hbm>>) dst(%arg11 : memref<250xi32, #tpu.memory_space<vmem>>)
    %barrier3A_33 = arith.constant 0 : index
    tpu.barrier barrier_id(%barrier3A_33)
    %mul3A_34 = arith.constant 10000 : i32
    %mul3A_35 = arith.muli %arg0, %mul3A_34 : i32
    %add3A = arith.addi %mul3A_35, %mul3A_0 : i32
    %lt3A = arith.constant 15 : i32
    %lt3A_36 = arith.cmpi slt, %arg1, %lt3A : i32
    %convert_element_type3A = arith.extui %lt3A_36 : i1 to i32
    %cond3A = arith.constant 0 : i32
    %cond3A_37 = arith.cmpi ne, %convert_element_type3A, %cond3A : i32
    scf.if %cond3A_37 {
      "tpu.region"() ({
        %run_scoped3A_42 = tpu.sem_alloc : memref<!tpu.dma_semaphore, #tpu.memory_space<semaphore_mem>>
        %dma_start3A_43 = arith.constant 0 : i32
        %dma_start3A_44 = tpu.memref_slice %arg6[%add3A, %dma_start3A_43] : memref<20000x128xf32, #tpu.memory_space<hbm>> -> memref<640x128xf32, #tpu.memory_space<hbm>>
        %dma_start3A_45 = arith.constant 0 : i32
        %dma_start3A_46 = tpu.memref_slice %arg7[%mul3A_0, %dma_start3A_45] : memref<10240x128xf32, #tpu.memory_space<vmem_shared>> -> memref<640x128xf32, #tpu.memory_space<vmem_shared>>
        tpu.enqueue_dma source(%dma_start3A_46 : memref<640x128xf32, #tpu.memory_space<vmem_shared>>) target(%dma_start3A_44 : memref<640x128xf32, #tpu.memory_space<hbm>>) target_semaphore(%run_scoped3A_42 : memref<!tpu.dma_semaphore, #tpu.memory_space<semaphore_mem>>)
        %dma_wait3A_47 = arith.constant 0 : i32
        %dma_wait3A_48 = tpu.memref_slice %arg6[%add3A, %dma_wait3A_47] : memref<20000x128xf32, #tpu.memory_space<hbm>> -> memref<640x128xf32, #tpu.memory_space<hbm>>
        %dma_wait3A_49 = arith.constant 0 : i32
        %dma_wait3A_50 = tpu.memref_slice %arg7[%mul3A_0, %dma_wait3A_49] : memref<10240x128xf32, #tpu.memory_space<vmem_shared>> -> memref<640x128xf32, #tpu.memory_space<vmem_shared>>
        tpu.wait_dma2 semaphore(%run_scoped3A_42 : memref<!tpu.dma_semaphore, #tpu.memory_space<semaphore_mem>>) src(%dma_wait3A_50 : memref<640x128xf32, #tpu.memory_space<vmem_shared>>) dst(%dma_wait3A_48 : memref<640x128xf32, #tpu.memory_space<hbm>>)
        tpu.yield
      }) : () -> ()
    } else {
    }
    %eq3A = arith.constant 15 : i32
    %eq3A_38 = arith.cmpi eq, %arg1, %eq3A : i32
    %convert_element_type3A_39 = arith.extui %eq3A_38 : i1 to i32
    %cond3A_40 = arith.constant 0 : i32
    %cond3A_41 = arith.cmpi ne, %convert_element_type3A_39, %cond3A_40 : i32
    scf.if %cond3A_41 {
      "tpu.region"() ({
        %run_scoped3A_42 = tpu.sem_alloc : memref<!tpu.dma_semaphore, #tpu.memory_space<semaphore_mem>>
        %dma_start3A_43 = arith.constant 0 : i32
        %dma_start3A_44 = tpu.memref_slice %arg6[%add3A, %dma_start3A_43] : memref<20000x128xf32, #tpu.memory_space<hbm>> -> memref<400x128xf32, #tpu.memory_space<hbm>>
        %dma_start3A_45 = arith.constant 0 : i32
        %dma_start3A_46 = tpu.memref_slice %arg7[%mul3A_0, %dma_start3A_45] : memref<10240x128xf32, #tpu.memory_space<vmem_shared>> -> memref<400x128xf32, #tpu.memory_space<vmem_shared>>
        tpu.enqueue_dma source(%dma_start3A_46 : memref<400x128xf32, #tpu.memory_space<vmem_shared>>) target(%dma_start3A_44 : memref<400x128xf32, #tpu.memory_space<hbm>>) target_semaphore(%run_scoped3A_42 : memref<!tpu.dma_semaphore, #tpu.memory_space<semaphore_mem>>)
        %dma_wait3A_47 = arith.constant 0 : i32
        %dma_wait3A_48 = tpu.memref_slice %arg6[%add3A, %dma_wait3A_47] : memref<20000x128xf32, #tpu.memory_space<hbm>> -> memref<400x128xf32, #tpu.memory_space<hbm>>
        %dma_wait3A_49 = arith.constant 0 : i32
        %dma_wait3A_50 = tpu.memref_slice %arg7[%mul3A_0, %dma_wait3A_49] : memref<10240x128xf32, #tpu.memory_space<vmem_shared>> -> memref<400x128xf32, #tpu.memory_space<vmem_shared>>
        tpu.wait_dma2 semaphore(%run_scoped3A_42 : memref<!tpu.dma_semaphore, #tpu.memory_space<semaphore_mem>>) src(%dma_wait3A_50 : memref<400x128xf32, #tpu.memory_space<vmem_shared>>) dst(%dma_wait3A_48 : memref<400x128xf32, #tpu.memory_space<hbm>>)
        tpu.yield
      }) : () -> ()
    } else {
    }
    return
  }
}

module attributes {stable_mosaic.version = 14 : i64} {
  func.func @_tc_body(%arg0: i32, %arg1: memref<2000x256xf32, #tpu.memory_space<vmem>>, %arg2: memref<2000x128xf32, #tpu.memory_space<vmem>>, %arg3: memref<2000x128xf32, #tpu.memory_space<vmem>>, %arg4: memref<256x512xf32, #tpu.memory_space<vmem>>, %arg5: memref<256x512xf32, #tpu.memory_space<vmem>>, %arg6: memref<1x512xf32, #tpu.memory_space<vmem>>, %arg7: memref<2000x256xf32, #tpu.memory_space<vmem>>) attributes {dimension_semantics = [#tpu.dimension_semantics<arbitrary>], iteration_bounds = array<i64: 5>, scalar_prefetch = 0 : i64, scratch_operands = 0 : i64, tpu.core_type = #tpu.core_type<tc>, window_params = [{transform_indices = @transform_0, window_bounds = array<i64: 2000, 256>}, {transform_indices = @transform_1, window_bounds = array<i64: 2000, 128>}, {transform_indices = @transform_2, window_bounds = array<i64: 2000, 128>}, {pipeline_mode = #tpu.pipeline_mode<synchronous>, transform_indices = @transform_3, window_bounds = array<i64: 256, 512>}, {pipeline_mode = #tpu.pipeline_mode<synchronous>, transform_indices = @transform_4, window_bounds = array<i64: 256, 512>}, {pipeline_mode = #tpu.pipeline_mode<synchronous>, transform_indices = @transform_5, window_bounds = array<i64: 1, 512>}, {transform_indices = @transform_6, window_bounds = array<i64: 2000, 256>}]} {
    %get3A = arith.constant 0 : index
    %get3A_0 = arith.constant 0 : index
    %get3A_1 = vector.load %arg2[%get3A, %get3A_0] : memref<2000x128xf32, #tpu.memory_space<vmem>>, vector<2000x128xf32>
    %get3A_2 = arith.constant 0 : index
    %get3A_3 = arith.constant 0 : index
    %get3A_4 = vector.load %arg3[%get3A_2, %get3A_3] : memref<2000x128xf32, #tpu.memory_space<vmem>>, vector<2000x128xf32>
    %concatenate3A = tpu.concatenate %get3A_1, %get3A_4 in 1 : vector<2000x128xf32>, vector<2000x128xf32> -> vector<2000x256xf32>
    %get3A_5 = arith.constant 0 : index
    %get3A_6 = arith.constant 0 : index
    %get3A_7 = vector.load %arg1[%get3A_5, %get3A_6] : memref<2000x256xf32, #tpu.memory_space<vmem>>, vector<2000x256xf32>
    %get3A_8 = arith.constant 0 : index
    %get3A_9 = arith.constant 0 : index
    %get3A_10 = vector.load %arg4[%get3A_8, %get3A_9] : memref<256x512xf32, #tpu.memory_space<vmem>>, vector<256x512xf32>
    %dot_general3A = arith.constant dense<0.000000e+00> : vector<2000x512xf32>
    %dot_general3A_11 = tpu.matmul %get3A_7, %get3A_10, %dot_general3A {dimension_numbers = #tpu.dot_dimension_numbers<[1], [0], [0], [1], [0, 0, 1, 1], [], []>, transpose_lhs_hint = false} : vector<2000x256xf32>, vector<256x512xf32>, vector<2000x512xf32> -> vector<2000x512xf32>
    %get3A_12 = arith.constant 0 : index
    %get3A_13 = arith.constant 0 : index
    %get3A_14 = vector.load %arg5[%get3A_12, %get3A_13] : memref<256x512xf32, #tpu.memory_space<vmem>>, vector<256x512xf32>
    %dot_general3A_15 = arith.constant dense<0.000000e+00> : vector<2000x512xf32>
    %dot_general3A_16 = tpu.matmul %concatenate3A, %get3A_14, %dot_general3A_15 {dimension_numbers = #tpu.dot_dimension_numbers<[1], [0], [0], [1], [0, 0, 1, 1], [], []>, transpose_lhs_hint = false} : vector<2000x256xf32>, vector<256x512xf32>, vector<2000x512xf32> -> vector<2000x512xf32>
    %add3A = arith.addf %dot_general3A_11, %dot_general3A_16 : vector<2000x512xf32>
    %get3A_17 = arith.constant 0 : index
    %get3A_18 = arith.constant 0 : index
    %get3A_19 = vector.load %arg6[%get3A_17, %get3A_18] : memref<1x512xf32, #tpu.memory_space<vmem>>, vector<1x512xf32>
    %add3A_20 = vector.broadcast %get3A_19 : vector<1x512xf32> to vector<2000x512xf32>
    %add3A_21 = arith.addf %add3A, %add3A_20 : vector<2000x512xf32>
    %slice3A = vector.extract_strided_slice %add3A_21 {offsets = [0, 0], sizes = [2000, 256], strides = [1, 1]} : vector<2000x512xf32> to vector<2000x256xf32>
    %logistic3A = arith.negf %slice3A : vector<2000x256xf32>
    %logistic3A_22 = math.exp %logistic3A : vector<2000x256xf32>
    %logistic3A_23 = arith.constant 1.000000e+00 : f32
    %logistic3A_24 = vector.broadcast %logistic3A_23 : f32 to vector<2000x256xf32>
    %logistic3A_25 = arith.addf %logistic3A_24, %logistic3A_22 : vector<2000x256xf32>
    %logistic3A_26 = arith.divf %logistic3A_24, %logistic3A_25 : vector<2000x256xf32>
    %slice3A_27 = vector.extract_strided_slice %add3A_21 {offsets = [0, 256], sizes = [2000, 256], strides = [1, 1]} : vector<2000x512xf32> to vector<2000x256xf32>
    %tanh3A = math.tanh %slice3A_27 : vector<2000x256xf32>
    %mul3A = arith.mulf %tanh3A, %logistic3A_26 : vector<2000x256xf32>
    %sub3A = arith.constant 1.000000e+00 : f32
    %sub3A_28 = vector.broadcast %sub3A : f32 to vector<2000x256xf32>
    %sub3A_29 = arith.subf %sub3A_28, %logistic3A_26 : vector<2000x256xf32>
    %mul3A_30 = arith.mulf %sub3A_29, %concatenate3A : vector<2000x256xf32>
    %add3A_31 = arith.addf %mul3A, %mul3A_30 : vector<2000x256xf32>
    %swap3A = arith.constant 0 : index
    %swap3A_32 = arith.constant 0 : index
    %swap3A_33 = vector.load %arg7[%swap3A, %swap3A_32] : memref<2000x256xf32, #tpu.memory_space<vmem>>, vector<2000x256xf32>
    tpu.vector_store %arg7[%swap3A, %swap3A_32], %add3A_31 {strides = array<i32>} : memref<2000x256xf32, #tpu.memory_space<vmem>>, vector<2000x256xf32>,
    return
  }
  func.func @transform_0(%arg0: i32) -> (i32, i32) {
    %c0_i32 = arith.constant 0 : i32
    %c0_i32_0 = arith.constant 0 : i32
    return %arg0, %c0_i32 : i32, i32
  }
  func.func @transform_1(%arg0: i32) -> (i32, i32) {
    %c0_i32 = arith.constant 0 : i32
    %c0_i32_0 = arith.constant 0 : i32
    return %arg0, %c0_i32 : i32, i32
  }
  func.func @transform_2(%arg0: i32) -> (i32, i32) {
    %add3A = arith.constant 5 : i32
    %add3A_0 = arith.addi %arg0, %add3A : i32
    %c0_i32 = arith.constant 0 : i32
    %c0_i32_1 = arith.constant 0 : i32
    return %add3A_0, %c0_i32 : i32, i32
  }
  func.func @transform_3(%arg0: i32) -> (i32, i32) {
    %c0_i32 = arith.constant 0 : i32
    %c0_i32_0 = arith.constant 0 : i32
    %c0_i32_1 = arith.constant 0 : i32
    return %c0_i32, %c0_i32_0 : i32, i32
  }
  func.func @transform_4(%arg0: i32) -> (i32, i32) {
    %c0_i32 = arith.constant 0 : i32
    %c0_i32_0 = arith.constant 0 : i32
    %c0_i32_1 = arith.constant 0 : i32
    return %c0_i32, %c0_i32_0 : i32, i32
  }
  func.func @transform_5(%arg0: i32) -> (i32, i32) {
    %c0_i32 = arith.constant 0 : i32
    %c0_i32_0 = arith.constant 0 : i32
    %c0_i32_1 = arith.constant 0 : i32
    return %c0_i32, %c0_i32_0 : i32, i32
  }
  func.func @transform_6(%arg0: i32) -> (i32, i32) {
    %c0_i32 = arith.constant 0 : i32
    %c0_i32_0 = arith.constant 0 : i32
    return %arg0, %c0_i32 : i32, i32
  }
}

</mosaic_0001>

<sc_bundles>
// kernel: kernel.4.cloned.1.call-start
scs
__scs_entry_jumppad:
0x0: {  	(pc) =	sbr.rel $0x88, $3  }
0x1: {  	(tag) =	ssettag $0x0;
	lr =	simm.s32 $0x1  }
0x2: {  	[smem:$0x3F9B] =	sst lr;
	_ =	strace $0xD0000000  }
0x3: {  	_ = 	snop  }
0x4: {  	_ = 	snop  }
0x5: {  	_ = 	snop  }
0x6: {  	_ = 	snop  }
0x7: {  	_ = 	snop  }
__scs_overlays_trampoline_lowered:
0x8: {  	[smem:$0x3FAA] =	sst s0  }
0x9: {  	[smem:$0x3FAB] =	sst s1  }
0xa: {  	[smem:$0x3FAC] =	sst s2  }
0xb: {  	[smem:$0x3FAD] =	sst s3  }
0xc: {  	[smem:$0x3FAE] =	sst s4  }
0xd: {  	[smem:$0x3FAF] =	sst s5  }
0xe: {  	[smem:$0x3FB0] =	sst s6  }
0xf: {  	[smem:$0x3FB1] =	sst s7  }
0x10: {  	[smem:$0x3FB2] =	sst s8  }
0x11: {  	[smem:$0x3FB3] =	sst s9;
	s0 =	simm.s32 @!p0 $0x0  }
0x12: {  	s1 =	sld [smem:$0x3F99];
	s0 =	simm.s32 @p0 $0x1  }
0x13: {  	[smem:$0x3FB4] =	sst s0;
	s0 =	simm.s32 @!p1 $0x0  }
0x14: {  	s2 =	sld [smem:$0x3F98];
	s0 =	simm.s32 @p1 $0x1  }
0x15: {  	[smem:$0x3FB5] =	sst s0;
	s0 =	simm.s32 @!p2 $0x0  }
0x16: {  	s3 =	sld [smem:$0x3FDB];
	s0 =	simm.s32 @p2 $0x1  }
0x17: {  	s4 =	simm.s32 $0x1BF5;
	[smem:$0x3FB7] =	sst s0  }
0x18: {  	s0 =	sld [smem:$0x3F9A];
	_ =	swait.ge [sflag:s4], $0x0  }
0x19: {  	s7 =	sld [smem:$0x3F9B]  }
0x1a: {  	s8 =	sadd.s32 $0xFFFFE003, lr  }
0x1b: {  	s9 =	sadd.s32 $0xFFFFFEF7, lr;
	s5 =	simm.s32 $0xFFFFFFFF;
	p2 =	slt.u32 s8, $0xFFFFF086  }
0x1c: {  	p1 =	slt.u32 s9, $0xF7A;
	s5 =	simm.s32 @!p2 $0x0  }
0x1d: {  	s5 =	simm.s32 @p1 $0x1;
	p0 =	seq.s32 s7, s2  }
0x1e: {  	s7 =	smul.u32 @!p0 $0xF7A, s2;
	p2 =	seq.s32 @!p0 s5, $0x0  }
0x1f: {  	s9 =	smul.u32 $0xF7A, s1;
	s8 =	simm.s32 @!p0 $0x1BF5;
	p2 =	por !p2, p0  }
0x20: {  	[sflag:s8] =	ssyncset.s32 @!p0 $0xFFFFF086;
	s6 =	sadd.s32 @!p0 s3, s7;
	s7 =	simm.s32 @!p0 $0x108  }
0x21: {  	s3 =	sadd.s32 s3, s9;
	s6 =	sadd.s32 @!p0 $0x88, s6;
	s7 =	simm.s32 @p2 $0x1082  }
0x22: {  	[simem:s7], [sflag:s8] =	dma.local @!p0 [hbm:s6], $0xF7A  }
0x23: {  	s9 =	sor.u32 $0xD0000000, s2;
	s6 =	simm.s32 $0x108;
	_ =	swait.ge @!p0 [sflag:s8], $0x0  }
0x24: {  	s3 =	sadd.s32 $0x88, s3;
	s6 =	simm.s32 @!p1 $0x1082;
	[sflag:s4] =	ssyncset.s32 $0xFFFFF086  }
0x25: {  	[simem:s6], [sflag:s4] =	dma.local [hbm:s3], $0xF7A  }
0x26: {  	[smem:$0x3F9B] =	sst s1;
	(tag) =	ssettag s2;
	_ =	strace s9  }
0x27: {  	s1 =	sld [smem:$0x3FAB]  }
0x28: {  	s2 =	sld [smem:$0x3FAC]  }
0x29: {  	s4 =	sld [smem:$0x3FAE]  }
0x2a: {  	p0 =	seq.s32 s5, $0x0;
	s5 =	sld [smem:$0x3FAF]  }
0x2b: {  	s6 =	sld [smem:$0x3FB0]  }
0x2c: {  	s7 =	sld [smem:$0x3FB1]  }
0x2d: {  	s3 =	simm.s32 $0x108;
	s8 =	sld [smem:$0x3FB2]  }
0x2e: {  	s3 =	simm.s32 @!p0 $0x1082;
	s9 =	sld [smem:$0x3FB3]  }
0x2f: {  	lr =	sadd.s32 s0, s3;
	s0 =	sld [smem:$0x3FAA]  }
0x30: {  	s3 =	sld [smem:$0x3FAD]  }
0x31: {  	[smem:$0x3FB6] =	sst s10  }
0x32: {  	s10 =	sld [smem:$0x3FB4];
	_ =	sdelay $0x3  }
0x33: {  	p0 =	seq.s32 s10, $0x1;
	s10 =	sld [smem:$0x3FB6];
	_ =	sdelay $0x3  }
0x34: {  	[smem:$0x3FB6] =	sst s10  }
0x35: {  	s10 =	sld [smem:$0x3FB5];
	_ =	sdelay $0x3  }
0x36: {  	p1 =	seq.s32 s10, $0x1;
	s10 =	sld [smem:$0x3FB6];
	_ =	sdelay $0x3  }
0x37: {  	[smem:$0x3FB6] =	sst s10  }
0x38: {  	s10 =	sld [smem:$0x3FB7]  }
0x39: {  	_ = 	snop;
	(pc) =	sbr.ind lr, $3  }
0x3a: {  	_ = 	snop  }
0x3b: {  	_ = 	snop  }
0x3c: {  	p2 =	seq.s32 s10, $0x1;
	s10 =	sld [smem:$0x3FB6]  }
0x3d: {  	_ =	shalt  }
0x3e: {  	_ =	shalt  }
0x3f: {  	_ =	shalt  }
0x40: {  	_ =	shalt  }
0x41: {  	_ =	shalt  }
0x42: {  	_ =	shalt  }
0x43: {  	_ =	shalt  }
0x44: {  	_ =	shalt  }
0x45: {  	_ =	shalt  }
0x46: {  	_ =	shalt  }
0x47: {  	_ =	shalt  }
0x48: {  	_ =	shalt  }
0x49: {  	_ =	shalt  }
0x4a: {  	_ =	shalt  }
0x4b: {  	_ =	shalt  }
0x4c: {  	_ =	shalt  }
0x4d: {  	_ =	shalt  }
0x4e: {  	_ =	shalt  }
0x4f: {  	_ =	shalt  }
0x50: {  	_ =	shalt  }
0x51: {  	_ =	shalt  }
0x52: {  	_ =	shalt  }
0x53: {  	_ =	shalt  }
0x54: {  	_ =	shalt  }
0x55: {  	_ =	shalt  }
0x56: {  	_ =	shalt  }
0x57: {  	_ =	shalt  }
0x58: {  	_ =	shalt  }
0x59: {  	_ =	shalt  }
0x5a: {  	_ =	shalt  }
0x5b: {  	_ =	shalt  }
0x5c: {  	_ =	shalt  }
0x5d: {  	_ =	shalt  }
0x5e: {  	_ =	shalt  }
0x5f: {  	_ =	shalt  }
0x60: {  	_ =	shalt  }
0x61: {  	_ =	shalt  }
0x62: {  	_ =	shalt  }
0x63: {  	_ =	shalt  }
0x64: {  	_ =	shalt  }
0x65: {  	_ =	shalt  }
0x66: {  	_ =	shalt  }
0x67: {  	_ =	shalt  }
0x68: {  	_ =	shalt  }
0x69: {  	_ =	shalt  }
0x6a: {  	_ =	shalt  }
0x6b: {  	_ =	shalt  }
0x6c: {  	_ =	shalt  }
0x6d: {  	_ =	shalt  }
0x6e: {  	_ =	shalt  }
0x6f: {  	_ =	shalt  }
0x70: {  	_ =	shalt  }
0x71: {  	_ =	shalt  }
0x72: {  	_ =	shalt  }
0x73: {  	_ =	shalt  }
0x74: {  	_ =	shalt  }
0x75: {  	_ =	shalt  }
0x76: {  	_ =	shalt  }
0x77: {  	_ =	shalt  }
0x78: {  	_ =	shalt  }
0x79: {  	_ =	shalt  }
0x7a: {  	_ =	shalt  }
0x7b: {  	_ =	shalt  }
0x7c: {  	_ =	shalt  }
0x7d: {  	_ =	shalt  }
0x7e: {  	_ =	shalt  }
0x7f: {  	_ =	shalt  }
0x80: {  	_ =	shalt  }
0x81: {  	_ =	shalt  }
0x82: {  	_ =	shalt  }
0x83: {  	_ =	shalt  }
0x84: {  	_ =	shalt  }
0x85: {  	_ =	shalt  }
0x86: {  	_ =	shalt  }
0x87: {  	_ =	shalt  }
.Lfunc_end0:
.L_simem_size_0:
called_computation_lowered:
.L_overlay_start_0:
0x88: {  	s2 =	sld [smem:$0x3FD9]  }
0x89: {  	s3 =	sld [smem:$0x3FFE];
	_ =	sdelay $0x1  }
0x8a: {  	s1 =	srdreg.scid  }
0x8b: {  	s0 =	sand.u32 $0x1, s1  }
0x8c: {  	s17 =	sshll.u32 s0, $0xA;
	s2 =	sadd.s32 s3, s2  }
0x8d: {  	s2 =	sadd.s32 s2, s17  }
0x8e: {  	[smem:$0x3FC2] =	sst s2  }
0x8f: {  	_ = 	snop  }
0x90: {  	s2 =	sld [smem:$0x3FD0];
	(tm) =	ssettm $0x1  }
0x91: {  	s18 =	sld [smem:$0x3FFB];
	_ =	sdelay $0x3  }
0x92: {  	_ =	strace s18  }
0x93: {  	s3 =	sld [smem:$0x3FFC];
	_ =	sdelay $0x3  }
0x94: {  	_ =	strace s3  }
0x95: {  	s3 =	sld [smem:$0x3FFD];
	_ =	sdelay $0x3  }
0x96: {  	_ =	strace s3  }
0x97: {  	_ =	strace $0x8FFFFFFF  }
0x98: {  	s19 =	sld [smem:$0x3FDB];
	_ =	sdelay $0x1  }
0x99: {  	s4 =	simm.s32 $_scs_section_size  }
0x9a: {  	s5 =	simm.s32 $_size__tile_overlayer_lowered;
	s6 =	simm.s32 $_tile_overlayer_lowered  }
0x9b: {  	s22 =	simm.s32 $0x1BFF;
	s21 =	sshll.u32 s6, $0x1;
	s3 =	sadd.s32 s4, s19  }
0x9c: {  	s7 =	simm.s32 $0x0;
	s20 =	sshll.u32 s5, $0x1;
	s5 =	sadd.s32 s21, s3  }
0x9d: {  	[timem:s7], [sflag:s22] =	dma.local [hbm:s5], s20  }
0x9e: {  	_ =	swait.ge [sflag:s22], s20  }
0x9f: {  	s4 =	ssub.s32 $0x0, s20;
	[sflag:s22] =	ssyncset.done $0x0  }
0xa0: {  	[sflag:s22] =	ssyncadd.s32 s4;
	_ =	sdelay $0x1  }
0xa1: {  	s23 =	simm.s32 $0x1B8B  }
0xa2: {  	_ =	swait.ge [sflag:s23], $0x1  }
0xa3: {  	[sflag:s23] =	ssyncset.done $0x0  }
0xa4: {  	s25 =	simm.s32 $0x1B8E;
	s24 =	sld [smem:$0x3FFE];
	[sflag:s23] =	ssyncadd.s32 $0xFFFFFFFF  }
0xa5: {  	s26 =	simm.s32 $execute0_lowered;
	[smem:$0x3FD2] =	sst s25  }
0xa6: {  	s5 =	sshll.u32 s26, $0x1;
	_ =	strace $0x80000046;
	[dreg:$0x1] =	wrdreg $0xFFFFFFFF  }
0xa7: {  	s28 =	simm.s32 $_size_execute0_lowered;
	s3 =	sadd.s32 s3, s5;
	[dreg:$0x0] =	wrdreg $0x0  }
0xa8: {  	s5 =	sshll.u32 s28, $0x1;
	[dreg:$0x2] =	wrdreg s3  }
0xa9: {  	[dreg:$0x3] =	wrdreg s5  }
0xaa: {  	[dreg:$0x4] =	wrdreg $0xC0  }
0xab: {  	_ =	task [dreg:s7], $0x5FFFF  }
0xac: {  	[dreg:$0x1] =	wrdreg $0xFFFFFFFF  }
0xad: {  	[dreg:$0x0] =	wrdreg $0x60  }
0xae: {  	[dreg:$0x2] =	wrdreg s2  }
0xaf: {  	[dreg:$0x3] =	wrdreg s24  }
0xb0: {  	[dreg:$0x4] =	wrdreg $0x0  }
0xb1: {  	[dreg:$0x5] =	wrdreg $0x9  }
0xb2: {  	_ =	task.clear_ibuf [dreg:s7], $0x6FFFF;
	_ =	strace $0x90000046  }
0xb3: {  	s29 =	simm.s32 $0x9;
	_ =	strace $0x80000048  }
0xb4: {  	_ =	swait.ge [sflag:s29], $0x1  }
0xb5: {  	[sflag:s29] =	ssyncadd.s32 $0xFFFFFFFF  }
0xb6: {  	_ =	strace $0x90000048  }
0xb7: {  	_ =	sfence  }
0xb8: {  	s30 =	sld [smem:$0x0];
	_ =	sdelay $0x2  }
0xb9: {  	s31 =	sshll.u32 s1, $0xD;
	s1 =	sshrl.u32 s1, $0x2  }
0xba: {  	s3 =	sand.u32 $0x4000, s31;
	s1 =	sadd.s32 s1, s30  }
0xbb: {  	s0 =	sor.u32 s3, s0;
	s1 =	sshll.u32 s1, $0x11  }
0xbc: {  	s0 =	sor.u32 s1, s0  }
0xbd: {  	s0 =	sadd.s32 $0x8F2B, s0  }
0xbe: {  	[sflag:s0] =	ssyncadd.remote.s32 $0x1  }
0xbf: {  	_ =	sfence.sel $0xFFFF  }
0xc0: {  	[dreg:$0x0] =	wrdreg $0xFFFFFFFF;
	(pc) =	sbr.abs _section_cstart, $3  }
0xc1: {  	[dreg:$0x1] =	wrdreg $0xFFFFFFFF  }
0xc2: {  	_ =	task.clear_ibuf [dreg:s7], $0x2FFFF;
	_ =	strace $0x9FFFFFFF  }
0xc3: {  	(tm) =	ssettm $0x7FFFFFFF  }
tec
execute0_lowered:
.L_overlay_start_1:
0x0: {  	(tag) =	ssettag $0x1  }
0x1: {  	s1 =	rddreg [dreg:$0x0]  }
0x2: {  	s0 =	rddreg [dreg:$0x1]  }
0x3: {  	s3 =	rddreg [dreg:$0x2];
	s4 =	simm.s32 $0x0  }
0x4: {  	s2 =	srdreg.scid;
	s14 =	stileid.u32;
	s28 =	simm.s32 $0x14400  }
0x5: {  	s29 =	simm.s32 $0x1;
	s30 =	simm.s32 $0x4;
	s31 =	simm.s32 $0x5  }
0x6: {  	[smem:$0x7FF] =	sst s4;
	s2 =	sand.u32 $0x1, s2;
	s19 =	smul.u32 $0x280, s14  }
0x7: {  	s5 =	sadd.s32 $0x5A00, s0;
	s6 =	sadd.s32 $0xA00, s0;
	s9 =	smul.u32 $0x50000, s14  }
0x8: {  	s8 =	sadd.s32 $0xFA00, s0;
	s22 =	sshll.u32 s14, $0x6;
	s7 =	smul.u32 $0x2710, s2  }
0x9: {  	p0 =	seq.s32 s14, $0xF;
	_ =	strace $0x80000047;
	s20 =	smul.u32 $0x28000, s2  }
0xa: {  	[dreg:$0x4] =	wrdreg s8;
	s2 =	ssub.s32 $0x2, s2;
	s8 =	smul.u32 $0x2800, s14  }
0xb: {  	s11 =	sor.u32 $0x1C06, s22;
	s22 =	simm.s32 $0x14000;
	s21 =	sshrl.u32 s2, $0x1  }
0xc: {  	s9 =	sshrl.u32 s9, $0x2;
	s4 =	sadd.s32 s19, s7;
	s2 =	ssub.s32 s2, s21  }
0xd: {  	s9 =	sadd.s32 s9, s3;
	s10 =	sadd.s32 s8, s20;
	s13 =	sshrl.u32 s8, $0x3  }
0xe: {  	s19 =	simm.s32 $0x6;
	s20 =	simm.s32 $0x80;
	s21 =	simm.s32 $0x400  }
0xf: {  	s4 =	sshll.u32 s4, $0x4;
	s7 =	sshrl.u32 s10, $0x3;
	s13 =	sadd.s32 s6, s13  }
0x10: {  	s25 =	smax.u32 s2, $0x1;
	s26 =	sshrl.u32 s9, $0x3;
	s2 =	simm.s32 $0x3  }
0x11: {  	s0 =	sadd.s32 s4, s0;
	s12 =	sadd.s32 s5, s7;
	[dreg:$0x7] =	wrdreg s25  }
0x12: {  	s24 =	sadd.s32 $0x10, s13;
	[dreg:$0x8] =	wrdreg s26;
	s25 =	simm.s32 $0x14300  }
0x13: {  	s26 =	simm.s32 $0xFA;
	s4 =	simm.s32 $0x0;
	s23 =	sadd.s32 $0x10, s12  }
0x14: {  	[dreg:$0x6] =	wrdreg s24;
	s16 =	sadd.s32 $0x12200, s0;
	s24 =	simm.s32 $0x14200  }
0x15: {  	s0 =	simm.s32 $0x2;
	[dreg:$0x5] =	wrdreg s23;
	s23 =	simm.s32 $0x14100  }
.LBB2_1:
0x16: {  	s7 =	rddreg [dreg:$0x4]  }
0x17: {  	s14 =	rddreg [dreg:$0x8]  }
0x18: {  	[spmem:s14], [sflag:s11] =	dma.local [hbm:s7], $0x2800  }
0x19: {  	_ =	swait.ge [sflag:s19], $0x2800  }
0x1a: {  	[sflag:s19] =	ssyncset.done $0x0  }
0x1b: {  	[sflag:s19] =	ssyncadd.s32 $0xFFFFD800  }
0x1c: {  	[tilespmem:s22], [sflag:$0x6] =	stream.strided.gather [hbm4b:s12+s20], $0x100, s21, s20, $0x38;
	[tilespmem:$0x1C400] =	vst v63  }
0x1d: {  	_ =	swait.ge [sflag:s19], $0x100  }
0x1e: {  	[sflag:s19] =	ssyncset.done $0x0  }
0x1f: {  	[sflag:s19] =	ssyncadd.s32 $0xFFFFFF00  }
0x20: {  	[tilespmem:s23], [sflag:$0x6] =	stream.strided.gather [hbm4b:s13+s20], $0x100, s21, s20, $0x38;
	[tilespmem:$0x1C400] =	vst v63  }
0x21: {  	_ =	swait.ge [sflag:s19], $0x100  }
0x22: {  	[sflag:s19] =	ssyncset.done $0x0  }
0x23: {  	s15 =	simm.s32 $0x0;
	s18 =	rddreg [dreg:$0x5];
	[sflag:s19] =	ssyncadd.s32 $0xFFFFFF00  }
0x24: {  	[tilespmem:s24], [sflag:$0x4] =	stream.strided.gather [hbm4b:s18+s20], $0x100, s21, s20, $0x38;
	[tilespmem:$0x1C400] =	vst v63  }
0x25: {  	s7 =	smin.u32 s15, $0x24;
	s14 =	rddreg [dreg:$0x6]  }
0x26: {  	[tilespmem:s25], [sflag:$0x5] =	stream.strided.gather [hbm4b:s14+s20], $0x100, s21, s20, $0x38;
	[tilespmem:$0x1C400] =	vst v63  }
0x27: {  	s17 =	sadd.s32 $0x2, s7;
	[bflag:$0x0] =	sbarrier.arrive $0xFFFF  }
0x28: {  	[tilespmem:s28], [sflag:$0x1] =	stream.indirect.gather [hbm4b:s1+s26], $0x80, s22, s26, $0xb8;
	[tilespmem:$0x1C400] =	vst v63  }
0x29: {  	s15 =	sshll.u32 s17, $0x8;
	_ =	swait.ge [sflag:s29], $0x7D00  }
0x2a: {  	s15 =	sand.u32 $0x7800, s15;
	s14 =	sshll.u32 s17, $0x7;
	[sflag:s29] =	ssyncset.done $0x0  }
0x2b: {  	s17 =	sadd.s32 s10, s15;
	s14 =	sand.u32 $0x300, s14;
	[sflag:s29] =	ssyncadd.s32 $0xFFFF8300  }
0x2c: {  	[spmem:s3] =	stream.indirect.scatter.add.f32 [tilespmem:s28], [sflag:$0x6], $0x80, s23, s26, $0xb8;
	[tilespmem:$0x1C400] =	vst v63  }
0x2d: {  	s15 =	sadd.s32 s8, s15;
	s17 =	sor.u32 s14, s17;
	_ =	swait.ge [sflag:s19], $0x7D00  }
0x2e: {  	s14 =	sor.u32 s14, s15;
	s18 =	sshrl.u32 s17, $0x3;
	[sflag:s19] =	ssyncset.done $0x0  }
0x2f: {  	s14 =	sshrl.u32 s14, $0x3;
	s15 =	sadd.s32 s5, s18;
	[sflag:s19] =	ssyncadd.s32 $0xFFFF8300  }
0x30: {  	[tilespmem:s22], [sflag:$0x2] =	stream.strided.gather [hbm4b:s15+s20], $0x100, s21, s20, $0x38;
	[tilespmem:$0x1C400] =	vst v63  }
0x31: {  	s14 =	sadd.s32 s6, s14  }
0x32: {  	[tilespmem:s23], [sflag:$0x3] =	stream.strided.gather [hbm4b:s14+s20], $0x100, s21, s20, $0x38;
	[tilespmem:$0x1C400] =	vst v63  }
0x33: {  	_ =	swait.ge [sflag:s30], $0x100  }
0x34: {  	[sflag:s30] =	ssyncset.done $0x0  }
0x35: {  	[sflag:s30] =	ssyncadd.s32 $0xFFFFFF00  }
0x36: {  	_ =	swait.ge [sflag:s31], $0x100  }
0x37: {  	[sflag:s31] =	ssyncset.done $0x0  }
0x38: {  	s7 =	sadd.s32 $0x3, s7;
	[sflag:s31] =	ssyncadd.s32 $0xFFFFFF00  }
0x39: {  	[tilespmem:s28], [sflag:$0x1] =	stream.indirect.gather [hbm4b:s1+s26], $0x80, s24, s26, $0xb8;
	[tilespmem:$0x1C400] =	vst v63  }
0x3a: {  	s15 =	sshll.u32 s7, $0x8;
	_ =	swait.ge [sflag:s29], $0x7D00  }
0x3b: {  	s7 =	sshll.u32 s7, $0x7;
	s14 =	sand.u32 $0x7800, s15;
	[sflag:s29] =	ssyncset.done $0x0  }
0x3c: {  	s7 =	sand.u32 $0x380, s7;
	s17 =	sadd.s32 s10, s14;
	[sflag:s29] =	ssyncadd.s32 $0xFFFF8300  }
0x3d: {  	[spmem:s3] =	stream.indirect.scatter.add.f32 [tilespmem:s28], [sflag:$0x6], $0x80, s25, s26, $0xb8;
	[tilespmem:$0x1C400] =	vst v63  }
0x3e: {  	s14 =	sadd.s32 s8, s14;
	s15 =	sor.u32 s7, s17;
	_ =	swait.ge [sflag:s19], $0x7D00  }
0x3f: {  	s7 =	sor.u32 s7, s14;
	s15 =	sshrl.u32 s15, $0x3;
	[sflag:s19] =	ssyncset.done $0x0  }
0x40: {  	s7 =	sshrl.u32 s7, $0x3;
	s18 =	sadd.s32 s5, s15;
	[sflag:s19] =	ssyncadd.s32 $0xFFFF8300  }
0x41: {  	[tilespmem:s24], [sflag:$0x4] =	stream.strided.gather [hbm4b:s18+s20], $0x100, s21, s20, $0x38;
	[tilespmem:$0x1C400] =	vst v63  }
0x42: {  	s7 =	sadd.s32 s6, s7  }
0x43: {  	[tilespmem:s25], [sflag:$0x5] =	stream.strided.gather [hbm4b:s7+s20], $0x100, s21, s20, $0x38;
	[tilespmem:$0x1C400] =	vst v63  }
0x44: {  	_ =	swait.ge [sflag:s0], $0x100  }
0x45: {  	[sflag:s0] =	ssyncset.done $0x0  }
0x46: {  	[sflag:s0] =	ssyncadd.s32 $0xFFFFFF00  }
0x47: {  	s7 =	simm.s32 $0x2;
	_ =	swait.ge [sflag:s2], $0x100  }
.LBB2_2:
0x48: {  	p1 =	sne.s32 s7, $0x26  }
0x49: {  	[sflag:s2] =	ssyncset.done $0x0;
	s14 =	smov.u32 s7;
	s7 =	sadd.s32 $0x2, s7  }
0x4a: {  	s14 =	smin.u32 s14, $0x24;
	[sflag:s2] =	ssyncadd.s32 $0xFFFFFF00  }
0x4b: {  	[tilespmem:s28], [sflag:$0x1] =	stream.indirect.gather [hbm4b:s1+s26], $0x80, s22, s26, $0xb8;
	[tilespmem:$0x1C400] =	vst v63  }
0x4c: {  	s15 =	sadd.s32 $0x2, s14;
	s14 =	sadd.s32 $0x3, s14;
	_ =	swait.ge [sflag:s29], $0x7D00  }
0x4d: {  	s17 =	sshll.u32 s15, $0x8;
	s15 =	sshll.u32 s15, $0x7;
	[sflag:s29] =	ssyncset.done $0x0  }
0x4e: {  	s17 =	sand.u32 $0x7800, s17;
	s15 =	sand.u32 $0x300, s15;
	[sflag:s29] =	ssyncadd.s32 $0xFFFF8300  }
0x4f: {  	[spmem:s3] =	stream.indirect.scatter.add.f32 [tilespmem:s28], [sflag:$0x6], $0x80, s23, s26, $0xb8;
	[tilespmem:$0x1C400] =	vst v63  }
0x50: {  	s18 =	sadd.s32 s10, s17;
	s17 =	sadd.s32 s8, s17;
	_ =	swait.ge [sflag:s19], $0x7D00  }
0x51: {  	s18 =	sor.u32 s15, s18;
	s15 =	sor.u32 s15, s17;
	[sflag:s19] =	ssyncset.done $0x0  }
0x52: {  	s17 =	sshrl.u32 s18, $0x3;
	s15 =	sshrl.u32 s15, $0x3;
	[sflag:s19] =	ssyncadd.s32 $0xFFFF8300  }
0x53: {  	s18 =	sshll.u32 s14, $0x8;
	s17 =	sadd.s32 s5, s17;
	s15 =	sadd.s32 s6, s15  }
0x54: {  	[tilespmem:s22], [sflag:$0x2] =	stream.strided.gather [hbm4b:s17+s20], $0x100, s21, s20, $0x38;
	[tilespmem:$0x1C400] =	vst v63  }
0x55: {  	s14 =	sshll.u32 s14, $0x7;
	s17 =	sand.u32 $0x7800, s18  }
0x56: {  	[tilespmem:s23], [sflag:$0x3] =	stream.strided.gather [hbm4b:s15+s20], $0x100, s21, s20, $0x38;
	[tilespmem:$0x1C400] =	vst v63  }
0x57: {  	s14 =	sand.u32 $0x380, s14;
	s15 =	sadd.s32 s10, s17;
	_ =	swait.ge [sflag:s30], $0x100  }
0x58: {  	s17 =	sadd.s32 s8, s17;
	s15 =	sor.u32 s14, s15;
	[sflag:s30] =	ssyncset.done $0x0  }
0x59: {  	s14 =	sor.u32 s14, s17;
	s15 =	sshrl.u32 s15, $0x3;
	[sflag:s30] =	ssyncadd.s32 $0xFFFFFF00  }
0x5a: {  	s14 =	sshrl.u32 s14, $0x3;
	_ =	swait.ge [sflag:s31], $0x100  }
0x5b: {  	[sflag:s31] =	ssyncset.done $0x0  }
0x5c: {  	[sflag:s31] =	ssyncadd.s32 $0xFFFFFF00  }
0x5d: {  	[tilespmem:s28], [sflag:$0x1] =	stream.indirect.gather [hbm4b:s1+s26], $0x80, s24, s26, $0xb8;
	[tilespmem:$0x1C400] =	vst v63  }
0x5e: {  	_ =	swait.ge [sflag:s29], $0x7D00  }
0x5f: {  	[sflag:s29] =	ssyncset.done $0x0  }
0x60: {  	[sflag:s29] =	ssyncadd.s32 $0xFFFF8300  }
0x61: {  	[spmem:s3] =	stream.indirect.scatter.add.f32 [tilespmem:s28], [sflag:$0x6], $0x80, s25, s26, $0xb8;
	[tilespmem:$0x1C400] =	vst v63  }
0x62: {  	_ =	swait.ge [sflag:s19], $0x7D00  }
0x63: {  	[sflag:s19] =	ssyncset.done $0x0  }
0x64: {  	s15 =	sadd.s32 s5, s15;
	[sflag:s19] =	ssyncadd.s32 $0xFFFF8300  }
0x65: {  	[tilespmem:s24], [sflag:$0x4] =	stream.strided.gather [hbm4b:s15+s20], $0x100, s21, s20, $0x38;
	[tilespmem:$0x1C400] =	vst v63  }
0x66: {  	s14 =	sadd.s32 s6, s14  }
0x67: {  	[tilespmem:s25], [sflag:$0x5] =	stream.strided.gather [hbm4b:s14+s20], $0x100, s21, s20, $0x38;
	[tilespmem:$0x1C400] =	vst v63  }
.Ltmp0:
0x68: {  	_ = 	snop;
	(pc) =	sbr.rel @p1 .LBB2_2-.Ltmp0, $4  }
0x69: {  	_ =	swait.ge [sflag:s0], $0x100  }
0x6a: {  	[sflag:s0] =	ssyncset.done $0x0  }
0x6b: {  	[sflag:s0] =	ssyncadd.s32 $0xFFFFFF00  }
0x6c: {  	_ =	swait.ge [sflag:s2], $0x100  }
0x6d: {  	[sflag:s2] =	ssyncset.done $0x0  }
0x6e: {  	[sflag:s2] =	ssyncadd.s32 $0xFFFFFF00  }
0x6f: {  	_ =	swait.ge [sflag:s30], $0x100  }
0x70: {  	[sflag:s30] =	ssyncset.done $0x0  }
0x71: {  	[sflag:s30] =	ssyncadd.s32 $0xFFFFFF00  }
0x72: {  	_ =	swait.ge [sflag:s31], $0x100  }
0x73: {  	[sflag:s31] =	ssyncset.done $0x0  }
0x74: {  	[sflag:s31] =	ssyncadd.s32 $0xFFFFFF00  }
0x75: {  	s7 =	sshrl.u32 @p0 s9, $0x3;
	[bflag:$0x0] =	sbarrier.arrive $0xFFFF  }
0x76: {  	[hbm:s16], [sflag:s11] =	dma.local @p0 [spmem:s7], $0x1900  }
0x77: {  	s7 =	simm.s32 @p0 $0x6  }
0x78: {  	_ =	swait.ge @p0 [sflag:s7], $0x1900  }
0x79: {  	[sflag:s7] =	ssyncset.done @p0 $0x0  }
0x7a: {  	[sflag:s7] =	ssyncadd.s32 @p0 $0xFFFFE700;
	s7 =	sshrl.u32 @!p0 s9, $0x3  }
0x7b: {  	[hbm:s16], [sflag:s11] =	dma.local @!p0 [spmem:s7], $0x2800  }
0x7c: {  	s7 =	simm.s32 @!p0 $0x6  }
0x7d: {  	_ =	swait.ge @!p0 [sflag:s7], $0x2800  }
0x7e: {  	s4 =	sadd.s32 $0x1, s4;
	s14 =	rddreg [dreg:$0x7]  }
0x7f: {  	p1 =	sne.s32 s4, s14  }
.Ltmp1:
0x80: {  	_ = 	snop;
	(pc) =	sbr.rel @p1 .LBB2_1-.Ltmp1, $3  }
0x81: {  	_ =	sdelay $0x1  }
0x82: {  	[sflag:s7] =	ssyncset.done @!p0 $0x0  }
0x83: {  	[sflag:s7] =	ssyncadd.s32 @!p0 $0xFFFFD800  }
0x84: {  	_ =	sfence.sel $0x180000  }
0x85: {  	[bflag:$0x0] =	sbarrier.arrive $0xFFFF  }
0x86: {  	_ =	strace $0x90000047  }
0x87: {  	s0 =	stileid.u32;
	[bflag:$0x2] =	sbarrier.arrive $0xFFFF  }
0x88: {  	p0 =	sne.s32 s0, $0x0;
	s0 =	rddreg [dreg:$0x3]  }
0x89: {  	s0 =	sadd.s32 @!p0 $0x100000, s0  }
0x8a: {  	[sflag:s0] =	ssyncadd.tile.s32 @!p0 $0x1;
	_ =	shalt  }
.Lfunc_end2:
_tile_overlayer_lowered:
.L_overlay_start_2:
0x8b: {  	(tag) =	ssettag $0x2  }
0x8c: {  	s0 =	rddreg [dreg:$0x0];
	s2 =	stileid.u32  }
0x8d: {  	s1 =	rddreg [dreg:$0x1];
	p0 =	sne.s32 s2, $0x0  }
0x8e: {  	s3 =	rddreg [dreg:$0x2];
	[bflag:$0x3] =	sbarrier.arrive $0xFFFF;
	s2 =	simm.s32 @!p0 $0x1C06  }
0x8f: {  	[timem:s3], [sflag:s2] =	dma.local @!p0 [hbm:s0], s1  }
0x90: {  	s0 =	simm.s32 @!p0 $0x6  }
0x91: {  	_ =	swait.ge @!p0 [sflag:s0], s1  }
0x92: {  	s1 =	ssub.s32 @!p0 $0x0, s1;
	[sflag:s0] =	ssyncset.done @!p0 $0x0  }
0x93: {  	[sflag:s0] =	ssyncadd.s32 @!p0 s1  }
0x94: {  	[bflag:$0x3] =	sbarrier.arrive $0xFFFF  }
0x95: {  	_ =	shalt  }

</sc_bundles>
